<compile_context>
chip_gen: v7x
topology: tpu7x:2x2x1
jax: 0.10.2.dev20260603
libtpu: 0.0.44.dev20260713+nightly
codegen_flags: <defaults>
</compile_context>

<pallas_src>
import functools

import jax
import jax.numpy as jnp
from jax import lax
from jax.experimental import pallas as pl
from jax.experimental.pallas import tpu as pltpu
from jax.experimental.pallas import tpu_sc as plsc

G = 1024
N_NODES = 100000
BN = 20000
NUM_BLOCKS = N_NODES // BN

NC = 2
NS = 16
NW = NC * NS
CHUNK = 128
NCHUNK = 25
BW = CHUNK * NCHUNK
NPAD = BW * NW


def _mlp_body(x_ref, w1_ref, b1_ref, w2_ref, b2_ref, out_ref):
    x = x_ref[...]
    h = jnp.dot(x, w1_ref[...], preferred_element_type=jnp.float32)
    h = h + b1_ref[...]
    h = 0.5 * h * (1.0 + lax.tanh(0.5 * h))
    e = lax.dot_general(w2_ref[...], h, (((0,), (1,)), ((), ())),
                        preferred_element_type=jnp.float32)
    out_ref[0] = e + b2_ref[...]


_mesh = plsc.VectorSubcoreMesh(core_axis_name="c", subcore_axis_name="s")


@functools.partial(
    pl.kernel,
    mesh=_mesh,
    out_type=jax.ShapeDtypeStruct((NC, G), jnp.float32),
    scratch_types=[
        pltpu.VMEM((NCHUNK, CHUNK), jnp.float32),
        pltpu.VMEM((NCHUNK, CHUNK), jnp.int32),
        pltpu.VMEM_SHARED((G,), jnp.float32),
        pltpu.SemaphoreType.DMA,
    ],
)
def _segsum(e_hbm, idx_hbm, zeros_hbm, out_hbm, e_v, idx_v, acc_sh, sem):
    c = lax.axis_index("c")
    s = lax.axis_index("s")
    wid = s * NC + c

    pltpu.async_copy(e_hbm.at[wid], e_v, sem)
    pltpu.async_copy(idx_hbm.at[wid], idx_v, sem)

    @pl.when(s == 0)
    def _():
        pltpu.sync_copy(zeros_hbm, acc_sh)

    pltpu.make_async_copy(e_hbm.at[wid], e_v, sem).wait()
    pltpu.make_async_copy(idx_hbm.at[wid], idx_v, sem).wait()

    plsc.subcore_barrier()

    def fire(j, carry):
        pltpu.async_copy(e_v.at[j], acc_sh.at[idx_v.at[j]], sem, add=True)
        return carry

    lax.fori_loop(0, NCHUNK, fire, 0)

    def drain(j, carry):
        pltpu.make_async_copy(e_v.at[j], acc_sh.at[idx_v.at[j]], sem).wait()
        return carry

    lax.fori_loop(0, NCHUNK, drain, 0)

    plsc.subcore_barrier()

    @pl.when(s == 0)
    def _():
        pltpu.sync_copy(acc_sh, out_hbm.at[c])


def kernel(node_scalar, batch, W1, b1, W2, b2):
    n, d = node_scalar.shape
    hdim = W1.shape[1]
    assert n == N_NODES

    e = pl.pallas_call(
        _mlp_body,
        grid=(NUM_BLOCKS,),
        in_specs=[
            pl.BlockSpec((BN, d), lambda i: (i, 0)),
            pl.BlockSpec((d, hdim), lambda i: (0, 0)),
            pl.BlockSpec((1, hdim), lambda i: (0, 0)),
            pl.BlockSpec((hdim, 1), lambda i: (0, 0)),
            pl.BlockSpec((1, 1), lambda i: (0, 0)),
        ],
        out_specs=pl.BlockSpec((1, 1, BN), lambda i: (i, 0, 0)),
        out_shape=jax.ShapeDtypeStruct((NUM_BLOCKS, 1, BN), jnp.float32),
    )(node_scalar, W1, b1.reshape(1, hdim), W2, b2.reshape(1, 1))

    e_pad = jnp.concatenate(
        [e.reshape(n), jnp.zeros((NPAD - n,), jnp.float32)])
    ids_pad = jnp.concatenate(
        [batch.astype(jnp.int32), jnp.zeros((NPAD - n,), jnp.int32)])
    e3 = e_pad.reshape(NW, NCHUNK, CHUNK)
    idx3 = ids_pad.reshape(NW, NCHUNK, CHUNK)

    partials = _segsum(e3, idx3, jnp.zeros((G,), jnp.float32))
    return partials[0] + partials[1]

# --- scband reference (transcript-rebuilt; emitter-appended) ---
"""Pipeline reference for scband-force-field-out-89764816486661 (READ-ONLY COPY).

The authoritative reference and input builder live on the scoring server;
editing this copy changes nothing except your own understanding.
"""

import jax, jax.numpy as jnp
import numpy as np

N = 100000
D = 128
H = 64
G = 1024
NODE_SCALE = 1.0
NODE_SHIFT = 0.0


def setup_inputs(seed: int = 0) -> dict:
    key = jax.random.key(seed)
    k1, k2, k3, k4 = jax.random.split(key, 4)
    node_scalar = jax.random.normal(k1, (N, D), dtype=jnp.float32)
    batch = jnp.sort(jax.random.randint(k2, (N,), 0, G)).astype(jnp.int64)
    # Linear(node_dim -> hidden_dim)
    W1 = (jax.random.uniform(k3, (D, H), dtype=jnp.float32, minval=-1.0, maxval=1.0)
          * (1.0 / np.sqrt(D)))
    b1 = jnp.zeros((H,), dtype=jnp.float32)
    # final Linear(hidden_dim -> 1), weight scaled by node_scale, bias = node_shift
    W2 = (jax.random.uniform(k4, (H, 1), dtype=jnp.float32, minval=-1.0, maxval=1.0)
          * (1.0 / np.sqrt(H)) * NODE_SCALE)
    b2 = jnp.full((1,), NODE_SHIFT, dtype=jnp.float32)
    return {"node_scalar": node_scalar, "batch": batch,
            "W1": W1, "b1": b1, "W2": W2, "b2": b2}


def reference(node_scalar, batch, W1, b1, W2, b2):
    # out_mlp: Linear -> SiLU -> Linear(scaled)
    h = jax.nn.silu(node_scalar @ W1 + b1)
    atom_eng_out = (h @ W2 + b2).reshape(-1)
    atomic_energies = atom_eng_out  # no pre-existing ATOMIC_ENERGIES in data
    # scatter_sum over graph ids -> per-graph total energy
    total_energy = jax.ops.segment_sum(atomic_energies, batch, num_segments=G)
    return total_energy

if __name__ == "__main__":
    import jax
    _d = setup_inputs()
    print(jax.jit(kernel)(*tuple(_d.values())))

</pallas_src>

<mosaic_0001>
#map = affine_map<(d0, d1) -> (0, 0, 0)>
#map1 = affine_map<(d0, d1) -> (0)>
#map2 = affine_map<(d0, d1) -> (0, 0)>
module attributes {stable_mosaic.version = 14 : i64} {
  func.func @_segsum(%arg0: i32, %arg1: i32, %arg2: memref<32x25x128xf32, #tpu.memory_space<hbm>>, %arg3: memref<32x25x128xi32, #tpu.memory_space<hbm>>, %arg4: memref<1024xf32, #tpu.memory_space<hbm>>, %arg5: memref<2x1024xf32, #tpu.memory_space<hbm>>, %arg6: memref<25x128xf32, #tpu.memory_space<vmem>>, %arg7: memref<25x128xi32, #tpu.memory_space<vmem>>, %arg8: memref<1024xf32, #tpu.memory_space<vmem_shared>>, %arg9: memref<!tpu.dma_semaphore, #tpu.memory_space<semaphore_mem>>) attributes {dimension_semantics = [#tpu.dimension_semantics<core_parallel>, #tpu.dimension_semantics<subcore_parallel>], iteration_bounds = array<i64: 2, 16>, scalar_prefetch = 0 : i64, scratch_operands = 4 : i64, tpu.core_type = #tpu.core_type<sc_vector_subcore>, window_params = [{transform_indices = #map}, {transform_indices = #map}, {transform_indices = #map1}, {transform_indices = #map2}]} {
    %mul3A = arith.constant 2 : i32
    %mul3A_0 = arith.muli %arg1, %mul3A : i32
    %add3A = arith.addi %mul3A_0, %arg0 : i32
    %dma_start3A = arith.constant 0 : i32
    %dma_start3A_1 = arith.constant 0 : i32
    %dma_start3A_2 = tpu.memref_slice %arg2[%add3A, %dma_start3A, %dma_start3A_1] : memref<32x25x128xf32, #tpu.memory_space<hbm>> -> memref<1x25x128xf32, #tpu.memory_space<hbm>>
    %dma_start3A_3 = tpu.memref_squeeze %dma_start3A_2 : memref<1x25x128xf32, #tpu.memory_space<hbm>> -> memref<25x128xf32, #tpu.memory_space<hbm>>
    %dma_start3A_4 = arith.constant 0 : i32
    %dma_start3A_5 = arith.constant 0 : i32
    %dma_start3A_6 = tpu.memref_slice %arg2[%add3A, %dma_start3A_4, %dma_start3A_5] : memref<32x25x128xf32, #tpu.memory_space<hbm>> -> memref<1x25x128xf32, #tpu.memory_space<hbm>>
    %dma_start3A_7 = tpu.memref_squeeze %dma_start3A_6 : memref<1x25x128xf32, #tpu.memory_space<hbm>> -> memref<25x128xf32, #tpu.memory_space<hbm>>
    tpu.enqueue_dma source(%dma_start3A_7 : memref<25x128xf32, #tpu.memory_space<hbm>>) target(%arg6 : memref<25x128xf32, #tpu.memory_space<vmem>>) target_semaphore(%arg9 : memref<!tpu.dma_semaphore, #tpu.memory_space<semaphore_mem>>)
    %dma_start3A_8 = arith.constant 0 : i32
    %dma_start3A_9 = arith.constant 0 : i32
    %dma_start3A_10 = tpu.memref_slice %arg3[%add3A, %dma_start3A_8, %dma_start3A_9] : memref<32x25x128xi32, #tpu.memory_space<hbm>> -> memref<1x25x128xi32, #tpu.memory_space<hbm>>
    %dma_start3A_11 = tpu.memref_squeeze %dma_start3A_10 : memref<1x25x128xi32, #tpu.memory_space<hbm>> -> memref<25x128xi32, #tpu.memory_space<hbm>>
    %dma_start3A_12 = arith.constant 0 : i32
    %dma_start3A_13 = arith.constant 0 : i32
    %dma_start3A_14 = tpu.memref_slice %arg3[%add3A, %dma_start3A_12, %dma_start3A_13] : memref<32x25x128xi32, #tpu.memory_space<hbm>> -> memref<1x25x128xi32, #tpu.memory_space<hbm>>
    %dma_start3A_15 = tpu.memref_squeeze %dma_start3A_14 : memref<1x25x128xi32, #tpu.memory_space<hbm>> -> memref<25x128xi32, #tpu.memory_space<hbm>>
    tpu.enqueue_dma source(%dma_start3A_15 : memref<25x128xi32, #tpu.memory_space<hbm>>) target(%arg7 : memref<25x128xi32, #tpu.memory_space<vmem>>) target_semaphore(%arg9 : memref<!tpu.dma_semaphore, #tpu.memory_space<semaphore_mem>>)
    %eq3A = arith.constant 0 : i32
    %eq3A_16 = arith.cmpi eq, %arg1, %eq3A : i32
    %convert_element_type3A = arith.extui %eq3A_16 : i1 to i32
    %cond3A = arith.constant 0 : i32
    %cond3A_17 = arith.cmpi ne, %convert_element_type3A, %cond3A : i32
    scf.if %cond3A_17 {
      "tpu.region"() ({
        %run_scoped3A = tpu.sem_alloc : memref<!tpu.dma_semaphore, #tpu.memory_space<semaphore_mem>>
        tpu.enqueue_dma source(%arg4 : memref<1024xf32, #tpu.memory_space<hbm>>) target(%arg8 : memref<1024xf32, #tpu.memory_space<vmem_shared>>) target_semaphore(%run_scoped3A : memref<!tpu.dma_semaphore, #tpu.memory_space<semaphore_mem>>)
        tpu.wait_dma2 semaphore(%run_scoped3A : memref<!tpu.dma_semaphore, #tpu.memory_space<semaphore_mem>>) src(%arg4 : memref<1024xf32, #tpu.memory_space<hbm>>) dst(%arg8 : memref<1024xf32, #tpu.memory_space<vmem_shared>>)
        tpu.yield
      }) : () -> ()
    } else {
    }
    %dma_wait3A = arith.constant 0 : i32
    %dma_wait3A_18 = arith.constant 0 : i32
    %dma_wait3A_19 = tpu.memref_slice %arg2[%add3A, %dma_wait3A, %dma_wait3A_18] : memref<32x25x128xf32, #tpu.memory_space<hbm>> -> memref<1x25x128xf32, #tpu.memory_space<hbm>>
    %dma_wait3A_20 = tpu.memref_squeeze %dma_wait3A_19 : memref<1x25x128xf32, #tpu.memory_space<hbm>> -> memref<25x128xf32, #tpu.memory_space<hbm>>
    %dma_wait3A_21 = arith.constant 0 : i32
    %dma_wait3A_22 = arith.constant 0 : i32
    %dma_wait3A_23 = tpu.memref_slice %arg2[%add3A, %dma_wait3A_21, %dma_wait3A_22] : memref<32x25x128xf32, #tpu.memory_space<hbm>> -> memref<1x25x128xf32, #tpu.memory_space<hbm>>
    %dma_wait3A_24 = tpu.memref_squeeze %dma_wait3A_23 : memref<1x25x128xf32, #tpu.memory_space<hbm>> -> memref<25x128xf32, #tpu.memory_space<hbm>>
    tpu.wait_dma2 semaphore(%arg9 : memref<!tpu.dma_semaphore, #tpu.memory_space<semaphore_mem>>) src(%dma_wait3A_24 : memref<25x128xf32, #tpu.memory_space<hbm>>) dst(%arg6 : memref<25x128xf32, #tpu.memory_space<vmem>>)
    %dma_wait3A_25 = arith.constant 0 : i32
    %dma_wait3A_26 = arith.constant 0 : i32
    %dma_wait3A_27 = tpu.memref_slice %arg3[%add3A, %dma_wait3A_25, %dma_wait3A_26] : memref<32x25x128xi32, #tpu.memory_space<hbm>> -> memref<1x25x128xi32, #tpu.memory_space<hbm>>
    %dma_wait3A_28 = tpu.memref_squeeze %dma_wait3A_27 : memref<1x25x128xi32, #tpu.memory_space<hbm>> -> memref<25x128xi32, #tpu.memory_space<hbm>>
    %dma_wait3A_29 = arith.constant 0 : i32
    %dma_wait3A_30 = arith.constant 0 : i32
    %dma_wait3A_31 = tpu.memref_slice %arg3[%add3A, %dma_wait3A_29, %dma_wait3A_30] : memref<32x25x128xi32, #tpu.memory_space<hbm>> -> memref<1x25x128xi32, #tpu.memory_space<hbm>>
    %dma_wait3A_32 = tpu.memref_squeeze %dma_wait3A_31 : memref<1x25x128xi32, #tpu.memory_space<hbm>> -> memref<25x128xi32, #tpu.memory_space<hbm>>
    tpu.wait_dma2 semaphore(%arg9 : memref<!tpu.dma_semaphore, #tpu.memory_space<semaphore_mem>>) src(%dma_wait3A_32 : memref<25x128xi32, #tpu.memory_space<hbm>>) dst(%arg7 : memref<25x128xi32, #tpu.memory_space<vmem>>)
    %barrier3A = arith.constant 0 : index
    tpu.barrier barrier_id(%barrier3A)
    %scan3A = arith.constant 0 : i32
    %scan3A_33 = arith.constant 0 : i32
    %scan3A_34 = arith.constant 25 : i32
    %scan3A_35 = arith.addi %scan3A_33, %scan3A_34 : i32
    %scan3A_36 = arith.constant 1 : i32
    scf.for %scan3A_50 = %scan3A_33 to %scan3A_35 step %scan3A_36  : i32 {
      %dma_start3A_51 = arith.constant 0 : i32
      %dma_start3A_52 = tpu.memref_slice %arg6[%scan3A_50, %dma_start3A_51] : memref<25x128xf32, #tpu.memory_space<vmem>> -> memref<1x128xf32, #tpu.memory_space<vmem>>
      %dma_start3A_53 = tpu.memref_squeeze %dma_start3A_52 : memref<1x128xf32, #tpu.memory_space<vmem>> -> memref<128xf32, #tpu.memory_space<vmem>>
      %dma_start3A_54 = arith.constant 0 : i32
      %dma_start3A_55 = tpu.memref_slice %arg7[%scan3A_50, %dma_start3A_54] : memref<25x128xi32, #tpu.memory_space<vmem>> -> memref<1x128xi32, #tpu.memory_space<vmem>>
      %dma_start3A_56 = tpu.memref_squeeze %dma_start3A_55 : memref<1x128xi32, #tpu.memory_space<vmem>> -> memref<128xi32, #tpu.memory_space<vmem>>
      %dma_start3A_57 = arith.constant 0 : i32
      %dma_start3A_58 = tpu.memref_slice %arg8[%dma_start3A_57] : memref<1024xf32, #tpu.memory_space<vmem_shared>> -> memref<1024xf32, #tpu.memory_space<vmem_shared>>
      tpu.enqueue_indirect_dma source(%dma_start3A_53 : memref<128xf32, #tpu.memory_space<vmem>>) target(%dma_start3A_58 : memref<1024xf32, #tpu.memory_space<vmem_shared>>) offsets(%dma_start3A_56 : memref<128xi32, #tpu.memory_space<vmem>>) semaphore(%arg9 : memref<!tpu.dma_semaphore, #tpu.memory_space<semaphore_mem>>) {add = true}
    }
    %scan3A_37 = arith.constant 25 : i32
    %scan3A_38 = arith.constant 0 : i32
    %scan3A_39 = arith.constant 0 : i32
    %scan3A_40 = arith.constant 25 : i32
    %scan3A_41 = arith.addi %scan3A_39, %scan3A_40 : i32
    %scan3A_42 = arith.constant 1 : i32
    scf.for %scan3A_50 = %scan3A_39 to %scan3A_41 step %scan3A_42  : i32 {
      %dma_wait3A_51 = arith.constant 0 : i32
      %dma_wait3A_52 = tpu.memref_slice %arg6[%scan3A_50, %dma_wait3A_51] : memref<25x128xf32, #tpu.memory_space<vmem>> -> memref<1x128xf32, #tpu.memory_space<vmem>>
      %dma_wait3A_53 = tpu.memref_squeeze %dma_wait3A_52 : memref<1x128xf32, #tpu.memory_space<vmem>> -> memref<128xf32, #tpu.memory_space<vmem>>
      %dma_wait3A_54 = arith.constant 0 : i32
      %dma_wait3A_55 = tpu.memref_slice %arg7[%scan3A_50, %dma_wait3A_54] : memref<25x128xi32, #tpu.memory_space<vmem>> -> memref<1x128xi32, #tpu.memory_space<vmem>>
      %dma_wait3A_56 = tpu.memref_squeeze %dma_wait3A_55 : memref<1x128xi32, #tpu.memory_space<vmem>> -> memref<128xi32, #tpu.memory_space<vmem>>
      %dma_wait3A_57 = arith.constant 0 : i32
      %dma_wait3A_58 = tpu.memref_slice %arg8[%dma_wait3A_57] : memref<1024xf32, #tpu.memory_space<vmem_shared>> -> memref<1024xf32, #tpu.memory_space<vmem_shared>>
      tpu.wait_indirect_dma semaphore(%arg9 : memref<!tpu.dma_semaphore, #tpu.memory_space<semaphore_mem>>) src(%dma_wait3A_53 : memref<128xf32, #tpu.memory_space<vmem>>) dst(%dma_wait3A_58 : memref<1024xf32, #tpu.memory_space<vmem_shared>>)
    }
    %scan3A_43 = arith.constant 25 : i32
    %barrier3A_44 = arith.constant 0 : index
    tpu.barrier barrier_id(%barrier3A_44)
    %eq3A_45 = arith.constant 0 : i32
    %eq3A_46 = arith.cmpi eq, %arg1, %eq3A_45 : i32
    %convert_element_type3A_47 = arith.extui %eq3A_46 : i1 to i32
    %cond3A_48 = arith.constant 0 : i32
    %cond3A_49 = arith.cmpi ne, %convert_element_type3A_47, %cond3A_48 : i32
    scf.if %cond3A_49 {
      "tpu.region"() ({
        %run_scoped3A = tpu.sem_alloc : memref<!tpu.dma_semaphore, #tpu.memory_space<semaphore_mem>>
        %dma_start3A_50 = arith.constant 0 : i32
        %dma_start3A_51 = tpu.memref_slice %arg5[%arg0, %dma_start3A_50] : memref<2x1024xf32, #tpu.memory_space<hbm>> -> memref<1x1024xf32, #tpu.memory_space<hbm>>
        %dma_start3A_52 = tpu.memref_squeeze %dma_start3A_51 : memref<1x1024xf32, #tpu.memory_space<hbm>> -> memref<1024xf32, #tpu.memory_space<hbm>>
        tpu.enqueue_dma source(%arg8 : memref<1024xf32, #tpu.memory_space<vmem_shared>>) target(%dma_start3A_52 : memref<1024xf32, #tpu.memory_space<hbm>>) target_semaphore(%run_scoped3A : memref<!tpu.dma_semaphore, #tpu.memory_space<semaphore_mem>>)
        %dma_wait3A_53 = arith.constant 0 : i32
        %dma_wait3A_54 = tpu.memref_slice %arg5[%arg0, %dma_wait3A_53] : memref<2x1024xf32, #tpu.memory_space<hbm>> -> memref<1x1024xf32, #tpu.memory_space<hbm>>
        %dma_wait3A_55 = tpu.memref_squeeze %dma_wait3A_54 : memref<1x1024xf32, #tpu.memory_space<hbm>> -> memref<1024xf32, #tpu.memory_space<hbm>>
        tpu.wait_dma2 semaphore(%run_scoped3A : memref<!tpu.dma_semaphore, #tpu.memory_space<semaphore_mem>>) src(%arg8 : memref<1024xf32, #tpu.memory_space<vmem_shared>>) dst(%dma_wait3A_55 : memref<1024xf32, #tpu.memory_space<hbm>>)
        tpu.yield
      }) : () -> ()
    } else {
    }
    return
  }
}

module attributes {stable_mosaic.version = 14 : i64} {
  func.func @_mlp_body(%arg0: i32, %arg1: memref<20000x128xf32, #tpu.memory_space<vmem>>, %arg2: memref<128x64xf32, #tpu.memory_space<vmem>>, %arg3: memref<1x64xf32, #tpu.memory_space<vmem>>, %arg4: memref<64x1xf32, #tpu.memory_space<vmem>>, %arg5: memref<1x1xf32, #tpu.memory_space<vmem>>, %arg6: memref<1x1x20000xf32, #tpu.memory_space<vmem>>) attributes {dimension_semantics = [#tpu.dimension_semantics<arbitrary>], iteration_bounds = array<i64: 5>, scalar_prefetch = 0 : i64, scratch_operands = 0 : i64, tpu.core_type = #tpu.core_type<tc>, window_params = [{transform_indices = @transform_0, window_bounds = array<i64: 20000, 128>}, {pipeline_mode = #tpu.pipeline_mode<synchronous>, transform_indices = @transform_1, window_bounds = array<i64: 128, 64>}, {pipeline_mode = #tpu.pipeline_mode<synchronous>, transform_indices = @transform_2, window_bounds = array<i64: 1, 64>}, {pipeline_mode = #tpu.pipeline_mode<synchronous>, transform_indices = @transform_3, window_bounds = array<i64: 64, 1>}, {pipeline_mode = #tpu.pipeline_mode<synchronous>, transform_indices = @transform_4, window_bounds = array<i64: 1, 1>}, {transform_indices = @transform_5, window_bounds = array<i64: 1, 1, 20000>}]} {
    %get3A = arith.constant 0 : index
    %get3A_0 = arith.constant 0 : index
    %get3A_1 = vector.load %arg1[%get3A, %get3A_0] : memref<20000x128xf32, #tpu.memory_space<vmem>>, vector<20000x128xf32>
    %get3A_2 = arith.constant 0 : index
    %get3A_3 = arith.constant 0 : index
    %get3A_4 = vector.load %arg2[%get3A_2, %get3A_3] : memref<128x64xf32, #tpu.memory_space<vmem>>, vector<128x64xf32>
    %dot_general3A = arith.constant dense<0.000000e+00> : vector<20000x64xf32>
    %dot_general3A_5 = tpu.matmul %get3A_1, %get3A_4, %dot_general3A {dimension_numbers = #tpu.dot_dimension_numbers<[1], [0], [0], [1], [0, 0, 1, 1], [], []>, transpose_lhs_hint = false} : vector<20000x128xf32>, vector<128x64xf32>, vector<20000x64xf32> -> vector<20000x64xf32>
    %get3A_6 = arith.constant 0 : index
    %get3A_7 = arith.constant 0 : index
    %get3A_8 = vector.load %arg3[%get3A_6, %get3A_7] : memref<1x64xf32, #tpu.memory_space<vmem>>, vector<1x64xf32>
    %add3A = vector.broadcast %get3A_8 : vector<1x64xf32> to vector<20000x64xf32>
    %add3A_9 = arith.addf %dot_general3A_5, %add3A : vector<20000x64xf32>
    %mul3A = arith.constant 5.000000e-01 : f32
    %mul3A_10 = vector.broadcast %mul3A : f32 to vector<20000x64xf32>
    %mul3A_11 = arith.mulf %mul3A_10, %add3A_9 : vector<20000x64xf32>
    %mul3A_12 = arith.constant 5.000000e-01 : f32
    %mul3A_13 = vector.broadcast %mul3A_12 : f32 to vector<20000x64xf32>
    %mul3A_14 = arith.mulf %mul3A_13, %add3A_9 : vector<20000x64xf32>
    %tanh3A = math.tanh %mul3A_14 : vector<20000x64xf32>
    %add3A_15 = arith.constant 1.000000e+00 : f32
    %add3A_16 = vector.broadcast %add3A_15 : f32 to vector<20000x64xf32>
    %add3A_17 = arith.addf %add3A_16, %tanh3A : vector<20000x64xf32>
    %mul3A_18 = arith.mulf %mul3A_11, %add3A_17 : vector<20000x64xf32>
    %get3A_19 = arith.constant 0 : index
    %get3A_20 = arith.constant 0 : index
    %get3A_21 = vector.load %arg4[%get3A_19, %get3A_20] : memref<64x1xf32, #tpu.memory_space<vmem>>, vector<64x1xf32>
    %dot_general3A_22 = arith.constant dense<0.000000e+00> : vector<1x20000xf32>
    %dot_general3A_23 = tpu.matmul %get3A_21, %mul3A_18, %dot_general3A_22 {dimension_numbers = #tpu.dot_dimension_numbers<[0], [1], [1], [0], [0, 1, 1, 0], [], []>, transpose_lhs_hint = false} : vector<64x1xf32>, vector<20000x64xf32>, vector<1x20000xf32> -> vector<1x20000xf32>
    %get3A_24 = arith.constant 0 : index
    %get3A_25 = arith.constant 0 : index
    %get3A_26 = vector.load %arg5[%get3A_24, %get3A_25] : memref<1x1xf32, #tpu.memory_space<vmem>>, vector<1x1xf32>
    %add3A_27 = vector.broadcast %get3A_26 : vector<1x1xf32> to vector<1x20000xf32>
    %add3A_28 = arith.addf %dot_general3A_23, %add3A_27 : vector<1x20000xf32>
    %swap3A = arith.constant 0 : index
    %swap3A_29 = arith.constant 0 : index
    %swap3A_30 = arith.constant 0 : index
    %swap3A_31 = vector.load %arg6[%swap3A, %swap3A_29, %swap3A_30] : memref<1x1x20000xf32, #tpu.memory_space<vmem>>, vector<1x1x20000xf32>
    %swap3A_32 = vector.shape_cast %swap3A_31 : vector<1x1x20000xf32> to vector<1x20000xf32>
    %swap3A_33 = vector.shape_cast %add3A_28 : vector<1x20000xf32> to vector<1x1x20000xf32>
    tpu.vector_store %arg6[%swap3A, %swap3A_29, %swap3A_30], %swap3A_33 {strides = array<i32>} : memref<1x1x20000xf32, #tpu.memory_space<vmem>>, vector<1x1x20000xf32>,
    return
  }
  func.func @transform_0(%arg0: i32) -> (i32, i32) {
    %c0_i32 = arith.constant 0 : i32
    %c0_i32_0 = arith.constant 0 : i32
    return %arg0, %c0_i32 : i32, i32
  }
  func.func @transform_1(%arg0: i32) -> (i32, i32) {
    %c0_i32 = arith.constant 0 : i32
    %c0_i32_0 = arith.constant 0 : i32
    %c0_i32_1 = arith.constant 0 : i32
    return %c0_i32, %c0_i32_0 : i32, i32
  }
  func.func @transform_2(%arg0: i32) -> (i32, i32) {
    %c0_i32 = arith.constant 0 : i32
    %c0_i32_0 = arith.constant 0 : i32
    %c0_i32_1 = arith.constant 0 : i32
    return %c0_i32, %c0_i32_0 : i32, i32
  }
  func.func @transform_3(%arg0: i32) -> (i32, i32) {
    %c0_i32 = arith.constant 0 : i32
    %c0_i32_0 = arith.constant 0 : i32
    %c0_i32_1 = arith.constant 0 : i32
    return %c0_i32, %c0_i32_0 : i32, i32
  }
  func.func @transform_4(%arg0: i32) -> (i32, i32) {
    %c0_i32 = arith.constant 0 : i32
    %c0_i32_0 = arith.constant 0 : i32
    %c0_i32_1 = arith.constant 0 : i32
    return %c0_i32, %c0_i32_0 : i32, i32
  }
  func.func @transform_5(%arg0: i32) -> (i32, i32, i32) {
    %c0_i32 = arith.constant 0 : i32
    %c0_i32_0 = arith.constant 0 : i32
    %c0_i32_1 = arith.constant 0 : i32
    return %arg0, %c0_i32, %c0_i32_0 : i32, i32, i32
  }
}

</mosaic_0001>

<sc_bundles>
// kernel: kernel.4.cloned.1.call-start
scs
__scs_entry_jumppad:
0x0: {  	(pc) =	sbr.rel $0x88, $3  }
0x1: {  	(tag) =	ssettag $0x0;
	lr =	simm.s32 $0x1  }
0x2: {  	[smem:$0x3F9B] =	sst lr;
	_ =	strace $0xD0000000  }
0x3: {  	_ = 	snop  }
0x4: {  	_ = 	snop  }
0x5: {  	_ = 	snop  }
0x6: {  	_ = 	snop  }
0x7: {  	_ = 	snop  }
__scs_overlays_trampoline_lowered:
0x8: {  	[smem:$0x3FAA] =	sst s0  }
0x9: {  	[smem:$0x3FAB] =	sst s1  }
0xa: {  	[smem:$0x3FAC] =	sst s2  }
0xb: {  	[smem:$0x3FAD] =	sst s3  }
0xc: {  	[smem:$0x3FAE] =	sst s4  }
0xd: {  	[smem:$0x3FAF] =	sst s5  }
0xe: {  	[smem:$0x3FB0] =	sst s6  }
0xf: {  	[smem:$0x3FB1] =	sst s7  }
0x10: {  	[smem:$0x3FB2] =	sst s8  }
0x11: {  	[smem:$0x3FB3] =	sst s9;
	s0 =	simm.s32 @!p0 $0x0  }
0x12: {  	s1 =	sld [smem:$0x3F99];
	s0 =	simm.s32 @p0 $0x1  }
0x13: {  	[smem:$0x3FB4] =	sst s0;
	s0 =	simm.s32 @!p1 $0x0  }
0x14: {  	s2 =	sld [smem:$0x3F98];
	s0 =	simm.s32 @p1 $0x1  }
0x15: {  	[smem:$0x3FB5] =	sst s0;
	s0 =	simm.s32 @!p2 $0x0  }
0x16: {  	s3 =	sld [smem:$0x3FDB];
	s0 =	simm.s32 @p2 $0x1  }
0x17: {  	s4 =	simm.s32 $0x1BF5;
	[smem:$0x3FB7] =	sst s0  }
0x18: {  	s0 =	sld [smem:$0x3F9A];
	_ =	swait.ge [sflag:s4], $0x0  }
0x19: {  	s7 =	sld [smem:$0x3F9B]  }
0x1a: {  	s8 =	sadd.s32 $0xFFFFE003, lr  }
0x1b: {  	s9 =	sadd.s32 $0xFFFFFEF7, lr;
	s5 =	simm.s32 $0xFFFFFFFF;
	p2 =	slt.u32 s8, $0xFFFFF086  }
0x1c: {  	p1 =	slt.u32 s9, $0xF7A;
	s5 =	simm.s32 @!p2 $0x0  }
0x1d: {  	s5 =	simm.s32 @p1 $0x1;
	p0 =	seq.s32 s7, s2  }
0x1e: {  	s7 =	smul.u32 @!p0 $0xF7A, s2;
	p2 =	seq.s32 @!p0 s5, $0x0  }
0x1f: {  	s9 =	smul.u32 $0xF7A, s1;
	s8 =	simm.s32 @!p0 $0x1BF5;
	p2 =	por !p2, p0  }
0x20: {  	[sflag:s8] =	ssyncset.s32 @!p0 $0xFFFFF086;
	s6 =	sadd.s32 @!p0 s3, s7;
	s7 =	simm.s32 @!p0 $0x108  }
0x21: {  	s3 =	sadd.s32 s3, s9;
	s6 =	sadd.s32 @!p0 $0x88, s6;
	s7 =	simm.s32 @p2 $0x1082  }
0x22: {  	[simem:s7], [sflag:s8] =	dma.local @!p0 [hbm:s6], $0xF7A  }
0x23: {  	s9 =	sor.u32 $0xD0000000, s2;
	s6 =	simm.s32 $0x108;
	_ =	swait.ge @!p0 [sflag:s8], $0x0  }
0x24: {  	s3 =	sadd.s32 $0x88, s3;
	s6 =	simm.s32 @!p1 $0x1082;
	[sflag:s4] =	ssyncset.s32 $0xFFFFF086  }
0x25: {  	[simem:s6], [sflag:s4] =	dma.local [hbm:s3], $0xF7A  }
0x26: {  	[smem:$0x3F9B] =	sst s1;
	(tag) =	ssettag s2;
	_ =	strace s9  }
0x27: {  	s1 =	sld [smem:$0x3FAB]  }
0x28: {  	s2 =	sld [smem:$0x3FAC]  }
0x29: {  	s4 =	sld [smem:$0x3FAE]  }
0x2a: {  	p0 =	seq.s32 s5, $0x0;
	s5 =	sld [smem:$0x3FAF]  }
0x2b: {  	s6 =	sld [smem:$0x3FB0]  }
0x2c: {  	s7 =	sld [smem:$0x3FB1]  }
0x2d: {  	s3 =	simm.s32 $0x108;
	s8 =	sld [smem:$0x3FB2]  }
0x2e: {  	s3 =	simm.s32 @!p0 $0x1082;
	s9 =	sld [smem:$0x3FB3]  }
0x2f: {  	lr =	sadd.s32 s0, s3;
	s0 =	sld [smem:$0x3FAA]  }
0x30: {  	s3 =	sld [smem:$0x3FAD]  }
0x31: {  	[smem:$0x3FB6] =	sst s10  }
0x32: {  	s10 =	sld [smem:$0x3FB4];
	_ =	sdelay $0x3  }
0x33: {  	p0 =	seq.s32 s10, $0x1;
	s10 =	sld [smem:$0x3FB6];
	_ =	sdelay $0x3  }
0x34: {  	[smem:$0x3FB6] =	sst s10  }
0x35: {  	s10 =	sld [smem:$0x3FB5];
	_ =	sdelay $0x3  }
0x36: {  	p1 =	seq.s32 s10, $0x1;
	s10 =	sld [smem:$0x3FB6];
	_ =	sdelay $0x3  }
0x37: {  	[smem:$0x3FB6] =	sst s10  }
0x38: {  	s10 =	sld [smem:$0x3FB7]  }
0x39: {  	_ = 	snop;
	(pc) =	sbr.ind lr, $3  }
0x3a: {  	_ = 	snop  }
0x3b: {  	_ = 	snop  }
0x3c: {  	p2 =	seq.s32 s10, $0x1;
	s10 =	sld [smem:$0x3FB6]  }
0x3d: {  	_ =	shalt  }
0x3e: {  	_ =	shalt  }
0x3f: {  	_ =	shalt  }
0x40: {  	_ =	shalt  }
0x41: {  	_ =	shalt  }
0x42: {  	_ =	shalt  }
0x43: {  	_ =	shalt  }
0x44: {  	_ =	shalt  }
0x45: {  	_ =	shalt  }
0x46: {  	_ =	shalt  }
0x47: {  	_ =	shalt  }
0x48: {  	_ =	shalt  }
0x49: {  	_ =	shalt  }
0x4a: {  	_ =	shalt  }
0x4b: {  	_ =	shalt  }
0x4c: {  	_ =	shalt  }
0x4d: {  	_ =	shalt  }
0x4e: {  	_ =	shalt  }
0x4f: {  	_ =	shalt  }
0x50: {  	_ =	shalt  }
0x51: {  	_ =	shalt  }
0x52: {  	_ =	shalt  }
0x53: {  	_ =	shalt  }
0x54: {  	_ =	shalt  }
0x55: {  	_ =	shalt  }
0x56: {  	_ =	shalt  }
0x57: {  	_ =	shalt  }
0x58: {  	_ =	shalt  }
0x59: {  	_ =	shalt  }
0x5a: {  	_ =	shalt  }
0x5b: {  	_ =	shalt  }
0x5c: {  	_ =	shalt  }
0x5d: {  	_ =	shalt  }
0x5e: {  	_ =	shalt  }
0x5f: {  	_ =	shalt  }
0x60: {  	_ =	shalt  }
0x61: {  	_ =	shalt  }
0x62: {  	_ =	shalt  }
0x63: {  	_ =	shalt  }
0x64: {  	_ =	shalt  }
0x65: {  	_ =	shalt  }
0x66: {  	_ =	shalt  }
0x67: {  	_ =	shalt  }
0x68: {  	_ =	shalt  }
0x69: {  	_ =	shalt  }
0x6a: {  	_ =	shalt  }
0x6b: {  	_ =	shalt  }
0x6c: {  	_ =	shalt  }
0x6d: {  	_ =	shalt  }
0x6e: {  	_ =	shalt  }
0x6f: {  	_ =	shalt  }
0x70: {  	_ =	shalt  }
0x71: {  	_ =	shalt  }
0x72: {  	_ =	shalt  }
0x73: {  	_ =	shalt  }
0x74: {  	_ =	shalt  }
0x75: {  	_ =	shalt  }
0x76: {  	_ =	shalt  }
0x77: {  	_ =	shalt  }
0x78: {  	_ =	shalt  }
0x79: {  	_ =	shalt  }
0x7a: {  	_ =	shalt  }
0x7b: {  	_ =	shalt  }
0x7c: {  	_ =	shalt  }
0x7d: {  	_ =	shalt  }
0x7e: {  	_ =	shalt  }
0x7f: {  	_ =	shalt  }
0x80: {  	_ =	shalt  }
0x81: {  	_ =	shalt  }
0x82: {  	_ =	shalt  }
0x83: {  	_ =	shalt  }
0x84: {  	_ =	shalt  }
0x85: {  	_ =	shalt  }
0x86: {  	_ =	shalt  }
0x87: {  	_ =	shalt  }
.Lfunc_end0:
.L_simem_size_0:
called_computation_lowered:
.L_overlay_start_0:
0x88: {  	s2 =	sld [smem:$0x3FD9]  }
0x89: {  	s3 =	sld [smem:$0x3FFE];
	_ =	sdelay $0x1  }
0x8a: {  	s1 =	srdreg.scid  }
0x8b: {  	s0 =	sand.u32 $0x1, s1  }
0x8c: {  	s17 =	sshll.u32 s0, $0xA;
	s2 =	sadd.s32 s3, s2  }
0x8d: {  	s2 =	sadd.s32 s2, s17  }
0x8e: {  	[smem:$0x3FC2] =	sst s2  }
0x8f: {  	_ = 	snop  }
0x90: {  	s2 =	sld [smem:$0x3FD0];
	(tm) =	ssettm $0x1  }
0x91: {  	s18 =	sld [smem:$0x3FFB];
	_ =	sdelay $0x3  }
0x92: {  	_ =	strace s18  }
0x93: {  	s3 =	sld [smem:$0x3FFC];
	_ =	sdelay $0x3  }
0x94: {  	_ =	strace s3  }
0x95: {  	s3 =	sld [smem:$0x3FFD];
	_ =	sdelay $0x3  }
0x96: {  	_ =	strace s3  }
0x97: {  	_ =	strace $0x8FFFFFFF  }
0x98: {  	s19 =	sld [smem:$0x3FDB];
	_ =	sdelay $0x1  }
0x99: {  	s4 =	simm.s32 $_scs_section_size  }
0x9a: {  	s5 =	simm.s32 $_size__tile_overlayer_lowered;
	s6 =	simm.s32 $_tile_overlayer_lowered  }
0x9b: {  	s22 =	simm.s32 $0x1BFF;
	s21 =	sshll.u32 s6, $0x1;
	s3 =	sadd.s32 s4, s19  }
0x9c: {  	s7 =	simm.s32 $0x0;
	s20 =	sshll.u32 s5, $0x1;
	s5 =	sadd.s32 s21, s3  }
0x9d: {  	[timem:s7], [sflag:s22] =	dma.local [hbm:s5], s20  }
0x9e: {  	_ =	swait.ge [sflag:s22], s20  }
0x9f: {  	s4 =	ssub.s32 $0x0, s20;
	[sflag:s22] =	ssyncset.done $0x0  }
0xa0: {  	[sflag:s22] =	ssyncadd.s32 s4;
	_ =	sdelay $0x1  }
0xa1: {  	s23 =	simm.s32 $0x1B8B  }
0xa2: {  	_ =	swait.ge [sflag:s23], $0x1  }
0xa3: {  	[sflag:s23] =	ssyncset.done $0x0  }
0xa4: {  	s25 =	simm.s32 $0x1B8E;
	s24 =	sld [smem:$0x3FFE];
	[sflag:s23] =	ssyncadd.s32 $0xFFFFFFFF  }
0xa5: {  	s26 =	simm.s32 $execute0_lowered;
	[smem:$0x3FD2] =	sst s25  }
0xa6: {  	s5 =	sshll.u32 s26, $0x1;
	_ =	strace $0x80000046;
	[dreg:$0x1] =	wrdreg $0xFFFFFFFF  }
0xa7: {  	s28 =	simm.s32 $_size_execute0_lowered;
	s3 =	sadd.s32 s3, s5;
	[dreg:$0x0] =	wrdreg $0x0  }
0xa8: {  	s5 =	sshll.u32 s28, $0x1;
	[dreg:$0x2] =	wrdreg s3  }
0xa9: {  	[dreg:$0x3] =	wrdreg s5  }
0xaa: {  	[dreg:$0x4] =	wrdreg $0xC0  }
0xab: {  	_ =	task [dreg:s7], $0x5FFFF  }
0xac: {  	[dreg:$0x1] =	wrdreg $0xFFFFFFFF  }
0xad: {  	[dreg:$0x0] =	wrdreg $0x60  }
0xae: {  	[dreg:$0x2] =	wrdreg s24  }
0xaf: {  	[dreg:$0x3] =	wrdreg s2  }
0xb0: {  	[dreg:$0x4] =	wrdreg $0x20000  }
0xb1: {  	[dreg:$0x5] =	wrdreg $0x9  }
0xb2: {  	_ =	task.clear_ibuf [dreg:s7], $0x6FFFF;
	_ =	strace $0x90000046  }
0xb3: {  	s29 =	simm.s32 $0x9;
	_ =	strace $0x80000048  }
0xb4: {  	_ =	swait.ge [sflag:s29], $0x1  }
0xb5: {  	[sflag:s29] =	ssyncadd.s32 $0xFFFFFFFF  }
0xb6: {  	_ =	strace $0x90000048  }
0xb7: {  	_ =	sfence  }
0xb8: {  	s30 =	sld [smem:$0x0];
	_ =	sdelay $0x2  }
0xb9: {  	s31 =	sshll.u32 s1, $0xD;
	s1 =	sshrl.u32 s1, $0x2  }
0xba: {  	s3 =	sand.u32 $0x4000, s31;
	s1 =	sadd.s32 s1, s30  }
0xbb: {  	s0 =	sor.u32 s3, s0;
	s1 =	sshll.u32 s1, $0x11  }
0xbc: {  	s0 =	sor.u32 s1, s0  }
0xbd: {  	s0 =	sadd.s32 $0x8F2B, s0  }
0xbe: {  	[sflag:s0] =	ssyncadd.remote.s32 $0x1  }
0xbf: {  	_ =	sfence.sel $0xFFFF  }
0xc0: {  	[dreg:$0x0] =	wrdreg $0xFFFFFFFF;
	(pc) =	sbr.abs _section_cstart, $3  }
0xc1: {  	[dreg:$0x1] =	wrdreg $0xFFFFFFFF  }
0xc2: {  	_ =	task.clear_ibuf [dreg:s7], $0x2FFFF;
	_ =	strace $0x9FFFFFFF  }
0xc3: {  	(tm) =	ssettm $0x7FFFFFFF  }
tec
execute0_lowered:
.L_overlay_start_1:
0x0: {  	(tag) =	ssettag $0x1  }
0x1: {  	s0 =	rddreg [dreg:$0x0]  }
0x2: {  	s1 =	rddreg [dreg:$0x1]  }
0x3: {  	s2 =	srdreg.scid;
	[dreg:$0x4] =	wrdreg s1  }
0x4: {  	s29 =	sand.u32 $0x1, s2;
	s1 =	rddreg [dreg:$0x2];
	s2 =	simm.s32 $0x0  }
0x5: {  	s23 =	simm.s32 $0x1080;
	[smem:$0x7FF] =	sst s2  }
0x6: {  	s24 =	simm.s32 $0x1100;
	_ =	strace $0x80000047;
	[dreg:$0x8] =	wrdreg s23  }
0x7: {  	s25 =	simm.s32 $0x100;
	[dreg:$0x9] =	wrdreg s24  }
0x8: {  	s26 =	simm.s32 $0x1180;
	[dreg:$0xa] =	wrdreg s25  }
0x9: {  	s30 =	simm.s32 $0x180;
	[dreg:$0xb] =	wrdreg s26  }
0xa: {  	s31 =	simm.s32 $0x1200;
	[dreg:$0xc] =	wrdreg s30  }
0xb: {  	s7 =	simm.s32 $0x1300;
	[dreg:$0xd] =	wrdreg s31  }
0xc: {  	s8 =	simm.s32 $0x300;
	[dreg:$0x11] =	wrdreg s7  }
0xd: {  	s9 =	simm.s32 $0x1380;
	[dreg:$0x12] =	wrdreg s8  }
0xe: {  	s10 =	simm.s32 $0x380;
	[dreg:$0x13] =	wrdreg s9  }
0xf: {  	s11 =	simm.s32 $0x1400;
	[dreg:$0x14] =	wrdreg s10  }
0x10: {  	s12 =	simm.s32 $0x400;
	[dreg:$0x15] =	wrdreg s11  }
0x11: {  	s13 =	simm.s32 $0x1480;
	[dreg:$0x16] =	wrdreg s12  }
0x12: {  	s14 =	simm.s32 $0x480;
	[dreg:$0x17] =	wrdreg s13  }
0x13: {  	s15 =	simm.s32 $0x1500;
	[dreg:$0x18] =	wrdreg s14  }
0x14: {  	s16 =	simm.s32 $0x500;
	[dreg:$0x19] =	wrdreg s15  }
0x15: {  	s17 =	simm.s32 $0x1580;
	[dreg:$0x1a] =	wrdreg s16  }
0x16: {  	s18 =	simm.s32 $0x580;
	[dreg:$0x1b] =	wrdreg s17  }
0x17: {  	s3 =	stileid.u32;
	s19 =	simm.s32 $0x1600;
	[dreg:$0x1c] =	wrdreg s18  }
0x18: {  	s20 =	simm.s32 $0x600;
	s21 =	simm.s32 $0x1680;
	[dreg:$0x1d] =	wrdreg s19  }
0x19: {  	s4 =	sshll.u32 s3, $0xA;
	s5 =	sshll.u32 s29, $0x9;
	[dreg:$0x1e] =	wrdreg s20  }
0x1a: {  	s4 =	sor.u32 s5, s4;
	s5 =	simm.s32 $0x1280;
	[dreg:$0x1f] =	wrdreg s21  }
0x1b: {  	s23 =	simm.s32 $0x1700;
	[dreg:$0xf] =	wrdreg s5  }
0x1c: {  	s24 =	simm.s32 $0x700;
	[smem:$0x7FC] =	sst s23  }
0x1d: {  	s22 =	sshll.u32 s29, $0x4;
	[smem:$0x7FA] =	sst s24  }
0x1e: {  	s26 =	simm.s32 $0x1780;
	s4 =	sadd.s32 s4, s0;
	s8 =	rddreg [dreg:$0x4]  }
0x1f: {  	s0 =	sadd.s32 s22, s0;
	s22 =	simm.s32 $0x680;
	[smem:$0x7FD] =	sst s26  }
0x20: {  	s6 =	sadd.s32 $0x400, s4;
	[smem:$0x7FB] =	sst s22  }
0x21: {  	s4 =	sadd.s32 $0x4400, s4;
	[dreg:$0x5] =	wrdreg s6  }
0x22: {  	s0 =	sadd.s32 $0x8400, s0;
	[dreg:$0x6] =	wrdreg s4  }
0x23: {  	[dreg:$0x7] =	wrdreg s0;
	s4 =	simm.s32 $0x200  }
0x24: {  	s6 =	simm.s32 $0x280;
	[dreg:$0xe] =	wrdreg s4  }
0x25: {  	p0 =	sne.s32 s3, $0x0;
	[dreg:$0x10] =	wrdreg s6  }
0x26: {  	s3 =	sshrl.u32 @!p0 s1, $0x3;
	s5 =	simm.s32 @!p0 $0x1C02;
	s25 =	rddreg [dreg:$0x5]  }
0x27: {  	[tilespmem:s2], [sflag:$0x1] =	stream.linear.gather [hbm4b:s25+s2], $0xC80, $0x38;
	[tilespmem:$0x2040] =	vst v63  }
0x28: {  	s6 =	simm.s32 $0x1000;
	s7 =	rddreg [dreg:$0x6];
	s4 =	simm.s32 @!p0 $0x2  }
0x29: {  	[tilespmem:s6], [sflag:$0x1] =	stream.linear.gather [hbm4b:s7+s2], $0xC80, $0x38;
	[tilespmem:$0x2040] =	vst v63  }
0x2a: {  	[spmem:s3], [sflag:s5] =	dma.local @!p0 [hbm:s8], $0x80  }
0x2b: {  	_ =	swait.ge @!p0 [sflag:s4], $0x80  }
0x2c: {  	[sflag:s4] =	ssyncset.done @!p0 $0x0  }
0x2d: {  	s7 =	simm.s32 $0x1;
	[sflag:s4] =	ssyncadd.s32 @!p0 $0xFFFFFF80  }
0x2e: {  	_ =	swait.ge [sflag:s7], $0xC80  }
0x2f: {  	[sflag:s7] =	ssyncset.done $0x0  }
0x30: {  	[sflag:s7] =	ssyncadd.s32 $0xFFFFF380  }
0x31: {  	_ =	swait.ge [sflag:s7], $0xC80  }
0x32: {  	[sflag:s7] =	ssyncset.done $0x0  }
0x33: {  	[sflag:s7] =	ssyncadd.s32 $0xFFFFF380  }
0x34: {  	[bflag:$0x0] =	sbarrier.arrive $0xFFFF  }
0x35: {  	s0 =	sld [smem:$0x7FA]  }
0x36: {  	s9 =	sld [smem:$0x7FB]  }
0x37: {  	s10 =	rddreg [dreg:$0x1e]  }
0x38: {  	s11 =	rddreg [dreg:$0x1c]  }
0x39: {  	s12 =	rddreg [dreg:$0x1a]  }
0x3a: {  	s13 =	rddreg [dreg:$0x18]  }
0x3b: {  	s14 =	rddreg [dreg:$0x16]  }
0x3c: {  	s15 =	rddreg [dreg:$0x14]  }
0x3d: {  	s16 =	rddreg [dreg:$0x12]  }
0x3e: {  	s17 =	rddreg [dreg:$0x10]  }
0x3f: {  	s18 =	rddreg [dreg:$0xe]  }
0x40: {  	s8 =	simm.s32 $0x80;
	s19 =	rddreg [dreg:$0xc]  }
0x41: {  	[spmem:s1] =	stream.indirect.scatter.add.f32 [tilespmem:s2], [sflag:$0x1], $0x1, s6, s8, $0xb8;
	[tilespmem:$0x2040] =	vst v63  }
0x42: {  	s20 =	rddreg [dreg:$0x8]  }
0x43: {  	s21 =	rddreg [dreg:$0xa]  }
0x44: {  	s22 =	rddreg [dreg:$0x9]  }
0x45: {  	[spmem:s1] =	stream.indirect.scatter.add.f32 [tilespmem:s8], [sflag:$0x1], $0x1, s20, s8, $0xb8;
	[tilespmem:$0x2040] =	vst v63  }
0x46: {  	s30 =	rddreg [dreg:$0xb]  }
0x47: {  	[spmem:s1] =	stream.indirect.scatter.add.f32 [tilespmem:s21], [sflag:$0x1], $0x1, s22, s8, $0xb8;
	[tilespmem:$0x2040] =	vst v63  }
0x48: {  	s31 =	rddreg [dreg:$0xd]  }
0x49: {  	[spmem:s1] =	stream.indirect.scatter.add.f32 [tilespmem:s19], [sflag:$0x1], $0x1, s30, s8, $0xb8;
	[tilespmem:$0x2040] =	vst v63  }
0x4a: {  	s23 =	rddreg [dreg:$0x15]  }
0x4b: {  	[spmem:s1] =	stream.indirect.scatter.add.f32 [tilespmem:s18], [sflag:$0x1], $0x1, s31, s8, $0xb8;
	[tilespmem:$0x2040] =	vst v63  }
0x4c: {  	s20 =	rddreg [dreg:$0xf]  }
0x4d: {  	[spmem:s1] =	stream.indirect.scatter.add.f32 [tilespmem:s17], [sflag:$0x1], $0x1, s20, s8, $0xb8;
	[tilespmem:$0x2040] =	vst v63  }
0x4e: {  	s21 =	rddreg [dreg:$0x11]  }
0x4f: {  	[spmem:s1] =	stream.indirect.scatter.add.f32 [tilespmem:s16], [sflag:$0x1], $0x1, s21, s8, $0xb8;
	[tilespmem:$0x2040] =	vst v63  }
0x50: {  	s22 =	rddreg [dreg:$0x13]  }
0x51: {  	[spmem:s1] =	stream.indirect.scatter.add.f32 [tilespmem:s15], [sflag:$0x1], $0x1, s22, s8, $0xb8;
	[tilespmem:$0x2040] =	vst v63  }
0x52: {  	s24 =	rddreg [dreg:$0x17]  }
0x53: {  	[spmem:s1] =	stream.indirect.scatter.add.f32 [tilespmem:s14], [sflag:$0x1], $0x1, s23, s8, $0xb8;
	[tilespmem:$0x2040] =	vst v63  }
0x54: {  	s25 =	rddreg [dreg:$0x19]  }
0x55: {  	[spmem:s1] =	stream.indirect.scatter.add.f32 [tilespmem:s13], [sflag:$0x1], $0x1, s24, s8, $0xb8;
	[tilespmem:$0x2040] =	vst v63  }
0x56: {  	s26 =	rddreg [dreg:$0x1b]  }
0x57: {  	[spmem:s1] =	stream.indirect.scatter.add.f32 [tilespmem:s12], [sflag:$0x1], $0x1, s25, s8, $0xb8;
	[tilespmem:$0x2040] =	vst v63  }
0x58: {  	s30 =	rddreg [dreg:$0x1d]  }
0x59: {  	[spmem:s1] =	stream.indirect.scatter.add.f32 [tilespmem:s11], [sflag:$0x1], $0x1, s26, s8, $0xb8;
	[tilespmem:$0x2040] =	vst v63  }
0x5a: {  	s31 =	rddreg [dreg:$0x1f]  }
0x5b: {  	[spmem:s1] =	stream.indirect.scatter.add.f32 [tilespmem:s10], [sflag:$0x1], $0x1, s30, s8, $0xb8;
	[tilespmem:$0x2040] =	vst v63  }
0x5c: {  	s12 =	sld [smem:$0x7FC]  }
0x5d: {  	[spmem:s1] =	stream.indirect.scatter.add.f32 [tilespmem:s9], [sflag:$0x1], $0x1, s31, s8, $0xb8;
	[tilespmem:$0x2040] =	vst v63  }
0x5e: {  	s13 =	sld [smem:$0x7FD]  }
0x5f: {  	[spmem:s1] =	stream.indirect.scatter.add.f32 [tilespmem:s0], [sflag:$0x1], $0x1, s12, s8, $0xb8;
	[tilespmem:$0x2040] =	vst v63  }
0x60: {  	s14 =	simm.s32 $0x780  }
0x61: {  	[spmem:s1] =	stream.indirect.scatter.add.f32 [tilespmem:s14], [sflag:$0x1], $0x1, s13, s8, $0xb8;
	[tilespmem:$0x2040] =	vst v63  }
0x62: {  	s16 =	simm.s32 $0x800;
	s15 =	simm.s32 $0x1800  }
0x63: {  	[spmem:s1] =	stream.indirect.scatter.add.f32 [tilespmem:s16], [sflag:$0x1], $0x1, s15, s8, $0xb8;
	[tilespmem:$0x2040] =	vst v63  }
0x64: {  	s18 =	simm.s32 $0x880;
	s17 =	simm.s32 $0x1880  }
0x65: {  	[spmem:s1] =	stream.indirect.scatter.add.f32 [tilespmem:s18], [sflag:$0x1], $0x1, s17, s8, $0xb8;
	[tilespmem:$0x2040] =	vst v63  }
0x66: {  	s19 =	simm.s32 $0x1900;
	s20 =	simm.s32 $0x900  }
0x67: {  	[spmem:s1] =	stream.indirect.scatter.add.f32 [tilespmem:s20], [sflag:$0x1], $0x1, s19, s8, $0xb8;
	[tilespmem:$0x2040] =	vst v63  }
0x68: {  	s21 =	simm.s32 $0x1980;
	s22 =	simm.s32 $0x980  }
0x69: {  	[spmem:s1] =	stream.indirect.scatter.add.f32 [tilespmem:s22], [sflag:$0x1], $0x1, s21, s8, $0xb8;
	[tilespmem:$0x2040] =	vst v63  }
0x6a: {  	s23 =	simm.s32 $0x1A00;
	s24 =	simm.s32 $0xA00  }
0x6b: {  	[spmem:s1] =	stream.indirect.scatter.add.f32 [tilespmem:s24], [sflag:$0x1], $0x1, s23, s8, $0xb8;
	[tilespmem:$0x2040] =	vst v63  }
0x6c: {  	s25 =	simm.s32 $0x1A80;
	s26 =	simm.s32 $0xA80  }
0x6d: {  	[spmem:s1] =	stream.indirect.scatter.add.f32 [tilespmem:s26], [sflag:$0x1], $0x1, s25, s8, $0xb8;
	[tilespmem:$0x2040] =	vst v63  }
0x6e: {  	s22 =	simm.s32 $0x1B00;
	s23 =	simm.s32 $0xB00  }
0x6f: {  	[spmem:s1] =	stream.indirect.scatter.add.f32 [tilespmem:s23], [sflag:$0x1], $0x1, s22, s8, $0xb8;
	[tilespmem:$0x2040] =	vst v63  }
0x70: {  	s24 =	simm.s32 $0x1B80;
	s25 =	simm.s32 $0xB80  }
0x71: {  	[spmem:s1] =	stream.indirect.scatter.add.f32 [tilespmem:s25], [sflag:$0x1], $0x1, s24, s8, $0xb8;
	[tilespmem:$0x2040] =	vst v63  }
0x72: {  	s28 =	simm.s32 $0xC00;
	s26 =	simm.s32 $0x1C00  }
0x73: {  	[spmem:s1] =	stream.indirect.scatter.add.f32 [tilespmem:s28], [sflag:$0x1], $0x1, s26, s8, $0xb8;
	[tilespmem:$0x2040] =	vst v63  }
0x74: {  	_ =	swait.ge [sflag:s7], $0x80  }
0x75: {  	[sflag:s7] =	ssyncset.done $0x0  }
0x76: {  	[sflag:s7] =	ssyncadd.s32 $0xFFFFFF80  }
0x77: {  	_ =	swait.ge [sflag:s7], $0x80  }
0x78: {  	[sflag:s7] =	ssyncset.done $0x0  }
0x79: {  	[sflag:s7] =	ssyncadd.s32 $0xFFFFFF80  }
0x7a: {  	_ =	swait.ge [sflag:s7], $0x80  }
0x7b: {  	[sflag:s7] =	ssyncset.done $0x0  }
0x7c: {  	[sflag:s7] =	ssyncadd.s32 $0xFFFFFF80  }
0x7d: {  	_ =	swait.ge [sflag:s7], $0x80  }
0x7e: {  	[sflag:s7] =	ssyncset.done $0x0  }
0x7f: {  	[sflag:s7] =	ssyncadd.s32 $0xFFFFFF80  }
0x80: {  	_ =	swait.ge [sflag:s7], $0x80  }
0x81: {  	[sflag:s7] =	ssyncset.done $0x0  }
0x82: {  	[sflag:s7] =	ssyncadd.s32 $0xFFFFFF80  }
0x83: {  	_ =	swait.ge [sflag:s7], $0x80  }
0x84: {  	[sflag:s7] =	ssyncset.done $0x0  }
0x85: {  	[sflag:s7] =	ssyncadd.s32 $0xFFFFFF80  }
0x86: {  	_ =	swait.ge [sflag:s7], $0x80  }
0x87: {  	[sflag:s7] =	ssyncset.done $0x0  }
0x88: {  	[sflag:s7] =	ssyncadd.s32 $0xFFFFFF80  }
0x89: {  	_ =	swait.ge [sflag:s7], $0x80  }
0x8a: {  	[sflag:s7] =	ssyncset.done $0x0  }
0x8b: {  	[sflag:s7] =	ssyncadd.s32 $0xFFFFFF80  }
0x8c: {  	_ =	swait.ge [sflag:s7], $0x80  }
0x8d: {  	[sflag:s7] =	ssyncset.done $0x0  }
0x8e: {  	[sflag:s7] =	ssyncadd.s32 $0xFFFFFF80  }
0x8f: {  	_ =	swait.ge [sflag:s7], $0x80  }
0x90: {  	[sflag:s7] =	ssyncset.done $0x0  }
0x91: {  	[sflag:s7] =	ssyncadd.s32 $0xFFFFFF80  }
0x92: {  	_ =	swait.ge [sflag:s7], $0x80  }
0x93: {  	[sflag:s7] =	ssyncset.done $0x0  }
0x94: {  	[sflag:s7] =	ssyncadd.s32 $0xFFFFFF80  }
0x95: {  	_ =	swait.ge [sflag:s7], $0x80  }
0x96: {  	[sflag:s7] =	ssyncset.done $0x0  }
0x97: {  	[sflag:s7] =	ssyncadd.s32 $0xFFFFFF80  }
0x98: {  	_ =	swait.ge [sflag:s7], $0x80  }
0x99: {  	[sflag:s7] =	ssyncset.done $0x0  }
0x9a: {  	[sflag:s7] =	ssyncadd.s32 $0xFFFFFF80  }
0x9b: {  	_ =	swait.ge [sflag:s7], $0x80  }
0x9c: {  	[sflag:s7] =	ssyncset.done $0x0  }
0x9d: {  	[sflag:s7] =	ssyncadd.s32 $0xFFFFFF80  }
0x9e: {  	_ =	swait.ge [sflag:s7], $0x80  }
0x9f: {  	[sflag:s7] =	ssyncset.done $0x0  }
0xa0: {  	[sflag:s7] =	ssyncadd.s32 $0xFFFFFF80  }
0xa1: {  	_ =	swait.ge [sflag:s7], $0x80  }
0xa2: {  	[sflag:s7] =	ssyncset.done $0x0  }
0xa3: {  	[sflag:s7] =	ssyncadd.s32 $0xFFFFFF80  }
0xa4: {  	_ =	swait.ge [sflag:s7], $0x80  }
0xa5: {  	[sflag:s7] =	ssyncset.done $0x0  }
0xa6: {  	[sflag:s7] =	ssyncadd.s32 $0xFFFFFF80  }
0xa7: {  	_ =	swait.ge [sflag:s7], $0x80  }
0xa8: {  	[sflag:s7] =	ssyncset.done $0x0  }
0xa9: {  	[sflag:s7] =	ssyncadd.s32 $0xFFFFFF80  }
0xaa: {  	_ =	swait.ge [sflag:s7], $0x80  }
0xab: {  	[sflag:s7] =	ssyncset.done $0x0  }
0xac: {  	[sflag:s7] =	ssyncadd.s32 $0xFFFFFF80  }
0xad: {  	s30 =	ssub.s32 $0x2, s29;
	_ =	swait.ge [sflag:s7], $0x80  }
0xae: {  	s31 =	sshrl.u32 s30, $0x1;
	[sflag:s7] =	ssyncset.done $0x0  }
0xaf: {  	s0 =	ssub.s32 s30, s31;
	[sflag:s7] =	ssyncadd.s32 $0xFFFFFF80  }
0xb0: {  	s0 =	smax.u32 s0, $0x1;
	_ =	swait.ge [sflag:s7], $0x80  }
0xb1: {  	s29 =	sadd.s32 $0xFFFFFFFF, s0;
	[sflag:s7] =	ssyncset.done $0x0  }
0xb2: {  	p1 =	sne.s32 s29, $0x0;
	[sflag:s7] =	ssyncadd.s32 $0xFFFFFF80  }
.Ltmp0:
0xb3: {  	_ =	swait.ge [sflag:s7], $0x80;
	(pc) =	sbr.rel @!p1 .LBB2_2-.Ltmp0, $4  }
0xb4: {  	[sflag:s7] =	ssyncset.done $0x0  }
0xb5: {  	[sflag:s7] =	ssyncadd.s32 $0xFFFFFF80  }
0xb6: {  	_ =	swait.ge [sflag:s7], $0x80  }
0xb7: {  	s21 =	simm.s32 $0xA80;
	[sflag:s7] =	ssyncset.done $0x0  }
.LBB2_1:
0xb8: {  	[sflag:s7] =	ssyncadd.s32 $0xFFFFFF80  }
0xb9: {  	_ =	swait.ge [sflag:s7], $0x80  }
0xba: {  	[sflag:s7] =	ssyncset.done $0x0  }
0xbb: {  	[sflag:s7] =	ssyncadd.s32 $0xFFFFFF80  }
0xbc: {  	_ =	swait.ge [sflag:s7], $0x80  }
0xbd: {  	[sflag:s7] =	ssyncset.done $0x0  }
0xbe: {  	[sflag:s7] =	ssyncadd.s32 $0xFFFFFF80  }
0xbf: {  	s9 =	simm.s32 @!p0 $0x1;
	[bflag:$0x0] =	sbarrier.arrive $0xFFFF  }
0xc0: {  	s30 =	simm.s32 @!p0 $0x20;
	s31 =	simm.s32 @!p0 $0x10;
	s0 =	rddreg [dreg:$0x7]  }
0xc1: {  	[hbm:s0@s30], [sflag:s5] =	dma.strided @!p0 [spmem:s3@s31], $0x80, s9, $0x10   }
0xc2: {  	_ =	swait.ge @!p0 [sflag:s4], $0x80  }
0xc3: {  	s18 =	rddreg [dreg:$0x5];
	[sflag:s4] =	ssyncset.done @!p0 $0x0  }
0xc4: {  	s19 =	rddreg [dreg:$0x6];
	[sflag:s4] =	ssyncadd.s32 @!p0 $0xFFFFFF80  }
0xc5: {  	[tilespmem:s2], [sflag:$0x1] =	stream.linear.gather [hbm4b:s18+s2], $0xC80, $0x38;
	[tilespmem:$0x2040] =	vst v63  }
0xc6: {  	s30 =	rddreg [dreg:$0x4]  }
0xc7: {  	[tilespmem:s6], [sflag:$0x1] =	stream.linear.gather [hbm4b:s19+s2], $0xC80, $0x38;
	[tilespmem:$0x2040] =	vst v63  }
0xc8: {  	[spmem:s3], [sflag:s5] =	dma.local @!p0 [hbm:s30], $0x80  }
0xc9: {  	_ =	swait.ge @!p0 [sflag:s4], $0x80  }
0xca: {  	[sflag:s4] =	ssyncset.done @!p0 $0x0  }
0xcb: {  	[sflag:s4] =	ssyncadd.s32 @!p0 $0xFFFFFF80  }
0xcc: {  	_ =	swait.ge [sflag:s7], $0xC80  }
0xcd: {  	[sflag:s7] =	ssyncset.done $0x0  }
0xce: {  	[sflag:s7] =	ssyncadd.s32 $0xFFFFF380  }
0xcf: {  	_ =	swait.ge [sflag:s7], $0xC80  }
0xd0: {  	[sflag:s7] =	ssyncset.done $0x0  }
0xd1: {  	[sflag:s7] =	ssyncadd.s32 $0xFFFFF380  }
0xd2: {  	[bflag:$0x0] =	sbarrier.arrive $0xFFFF  }
0xd3: {  	s30 =	sld [smem:$0x7FA]  }
0xd4: {  	s31 =	sld [smem:$0x7FB]  }
0xd5: {  	s0 =	rddreg [dreg:$0x1e]  }
0xd6: {  	s9 =	rddreg [dreg:$0x1c]  }
0xd7: {  	s10 =	rddreg [dreg:$0x1a]  }
0xd8: {  	s11 =	rddreg [dreg:$0x18]  }
0xd9: {  	s12 =	rddreg [dreg:$0x16]  }
0xda: {  	s13 =	rddreg [dreg:$0x14]  }
0xdb: {  	s14 =	rddreg [dreg:$0x12]  }
0xdc: {  	s15 =	rddreg [dreg:$0x10]  }
0xdd: {  	s16 =	rddreg [dreg:$0xe]  }
0xde: {  	s17 =	rddreg [dreg:$0xc]  }
0xdf: {  	[spmem:s1] =	stream.indirect.scatter.add.f32 [tilespmem:s2], [sflag:$0x1], $0x1, s6, s8, $0xb8;
	[tilespmem:$0x2040] =	vst v63  }
0xe0: {  	s18 =	rddreg [dreg:$0x8]  }
0xe1: {  	s19 =	rddreg [dreg:$0xa]  }
0xe2: {  	s20 =	rddreg [dreg:$0x9]  }
0xe3: {  	[spmem:s1] =	stream.indirect.scatter.add.f32 [tilespmem:s8], [sflag:$0x1], $0x1, s18, s8, $0xb8;
	[tilespmem:$0x2040] =	vst v63  }
0xe4: {  	s18 =	rddreg [dreg:$0xb]  }
0xe5: {  	[spmem:s1] =	stream.indirect.scatter.add.f32 [tilespmem:s19], [sflag:$0x1], $0x1, s20, s8, $0xb8;
	[tilespmem:$0x2040] =	vst v63  }
0xe6: {  	s19 =	rddreg [dreg:$0xd]  }
0xe7: {  	[spmem:s1] =	stream.indirect.scatter.add.f32 [tilespmem:s17], [sflag:$0x1], $0x1, s18, s8, $0xb8;
	[tilespmem:$0x2040] =	vst v63  }
0xe8: {  	s20 =	rddreg [dreg:$0xf]  }
0xe9: {  	[spmem:s1] =	stream.indirect.scatter.add.f32 [tilespmem:s16], [sflag:$0x1], $0x1, s19, s8, $0xb8;
	[tilespmem:$0x2040] =	vst v63  }
0xea: {  	s18 =	rddreg [dreg:$0x11]  }
0xeb: {  	[spmem:s1] =	stream.indirect.scatter.add.f32 [tilespmem:s15], [sflag:$0x1], $0x1, s20, s8, $0xb8;
	[tilespmem:$0x2040] =	vst v63  }
0xec: {  	s17 =	rddreg [dreg:$0x1b]  }
0xed: {  	[spmem:s1] =	stream.indirect.scatter.add.f32 [tilespmem:s14], [sflag:$0x1], $0x1, s18, s8, $0xb8;
	[tilespmem:$0x2040] =	vst v63  }
0xee: {  	s19 =	rddreg [dreg:$0x13]  }
0xef: {  	[spmem:s1] =	stream.indirect.scatter.add.f32 [tilespmem:s13], [sflag:$0x1], $0x1, s19, s8, $0xb8;
	[tilespmem:$0x2040] =	vst v63  }
0xf0: {  	s20 =	rddreg [dreg:$0x15]  }
0xf1: {  	[spmem:s1] =	stream.indirect.scatter.add.f32 [tilespmem:s12], [sflag:$0x1], $0x1, s20, s8, $0xb8;
	[tilespmem:$0x2040] =	vst v63  }
0xf2: {  	s15 =	rddreg [dreg:$0x17]  }
0xf3: {  	[spmem:s1] =	stream.indirect.scatter.add.f32 [tilespmem:s11], [sflag:$0x1], $0x1, s15, s8, $0xb8;
	[tilespmem:$0x2040] =	vst v63  }
0xf4: {  	s16 =	rddreg [dreg:$0x19]  }
0xf5: {  	[spmem:s1] =	stream.indirect.scatter.add.f32 [tilespmem:s10], [sflag:$0x1], $0x1, s16, s8, $0xb8;
	[tilespmem:$0x2040] =	vst v63  }
0xf6: {  	s18 =	rddreg [dreg:$0x1d]  }
0xf7: {  	[spmem:s1] =	stream.indirect.scatter.add.f32 [tilespmem:s9], [sflag:$0x1], $0x1, s17, s8, $0xb8;
	[tilespmem:$0x2040] =	vst v63  }
0xf8: {  	s19 =	rddreg [dreg:$0x1f]  }
0xf9: {  	[spmem:s1] =	stream.indirect.scatter.add.f32 [tilespmem:s0], [sflag:$0x1], $0x1, s18, s8, $0xb8;
	[tilespmem:$0x2040] =	vst v63  }
0xfa: {  	s20 =	sld [smem:$0x7FC]  }
0xfb: {  	[spmem:s1] =	stream.indirect.scatter.add.f32 [tilespmem:s31], [sflag:$0x1], $0x1, s19, s8, $0xb8;
	[tilespmem:$0x2040] =	vst v63  }
0xfc: {  	s10 =	sld [smem:$0x7FD]  }
0xfd: {  	[spmem:s1] =	stream.indirect.scatter.add.f32 [tilespmem:s30], [sflag:$0x1], $0x1, s20, s8, $0xb8;
	[tilespmem:$0x2040] =	vst v63  }
0xfe: {  	s11 =	simm.s32 $0x780  }
0xff: {  	[spmem:s1] =	stream.indirect.scatter.add.f32 [tilespmem:s11], [sflag:$0x1], $0x1, s10, s8, $0xb8;
	[tilespmem:$0x2040] =	vst v63  }
0x100: {  	s13 =	simm.s32 $0x800;
	s12 =	simm.s32 $0x1800  }
0x101: {  	[spmem:s1] =	stream.indirect.scatter.add.f32 [tilespmem:s13], [sflag:$0x1], $0x1, s12, s8, $0xb8;
	[tilespmem:$0x2040] =	vst v63  }
0x102: {  	s14 =	simm.s32 $0x1880;
	s15 =	simm.s32 $0x880  }
0x103: {  	[spmem:s1] =	stream.indirect.scatter.add.f32 [tilespmem:s15], [sflag:$0x1], $0x1, s14, s8, $0xb8;
	[tilespmem:$0x2040] =	vst v63  }
0x104: {  	s16 =	simm.s32 $0x1900;
	s17 =	simm.s32 $0x900  }
0x105: {  	[spmem:s1] =	stream.indirect.scatter.add.f32 [tilespmem:s17], [sflag:$0x1], $0x1, s16, s8, $0xb8;
	[tilespmem:$0x2040] =	vst v63  }
0x106: {  	s18 =	simm.s32 $0x1980;
	s19 =	simm.s32 $0x980  }
0x107: {  	[spmem:s1] =	stream.indirect.scatter.add.f32 [tilespmem:s19], [sflag:$0x1], $0x1, s18, s8, $0xb8;
	[tilespmem:$0x2040] =	vst v63  }
0x108: {  	s20 =	simm.s32 $0x1A00;
	s30 =	simm.s32 $0xA00  }
0x109: {  	[spmem:s1] =	stream.indirect.scatter.add.f32 [tilespmem:s30], [sflag:$0x1], $0x1, s20, s8, $0xb8;
	[tilespmem:$0x2040] =	vst v63  }
0x10a: {  	s31 =	simm.s32 $0x1A80  }
0x10b: {  	[spmem:s1] =	stream.indirect.scatter.add.f32 [tilespmem:s21], [sflag:$0x1], $0x1, s31, s8, $0xb8;
	[tilespmem:$0x2040] =	vst v63  }
0x10c: {  	_ = 	snop  }
0x10d: {  	[spmem:s1] =	stream.indirect.scatter.add.f32 [tilespmem:s23], [sflag:$0x1], $0x1, s22, s8, $0xb8;
	[tilespmem:$0x2040] =	vst v63  }
0x10e: {  	_ = 	snop  }
0x10f: {  	[spmem:s1] =	stream.indirect.scatter.add.f32 [tilespmem:s25], [sflag:$0x1], $0x1, s24, s8, $0xb8;
	[tilespmem:$0x2040] =	vst v63  }
0x110: {  	_ = 	snop  }
0x111: {  	[spmem:s1] =	stream.indirect.scatter.add.f32 [tilespmem:s28], [sflag:$0x1], $0x1, s26, s8, $0xb8;
	[tilespmem:$0x2040] =	vst v63  }
0x112: {  	_ =	swait.ge [sflag:s7], $0x80  }
0x113: {  	[sflag:s7] =	ssyncset.done $0x0  }
0x114: {  	[sflag:s7] =	ssyncadd.s32 $0xFFFFFF80  }
0x115: {  	_ =	swait.ge [sflag:s7], $0x80  }
0x116: {  	[sflag:s7] =	ssyncset.done $0x0  }
0x117: {  	[sflag:s7] =	ssyncadd.s32 $0xFFFFFF80  }
0x118: {  	_ =	swait.ge [sflag:s7], $0x80  }
0x119: {  	[sflag:s7] =	ssyncset.done $0x0  }
0x11a: {  	[sflag:s7] =	ssyncadd.s32 $0xFFFFFF80  }
0x11b: {  	_ =	swait.ge [sflag:s7], $0x80  }
0x11c: {  	[sflag:s7] =	ssyncset.done $0x0  }
0x11d: {  	[sflag:s7] =	ssyncadd.s32 $0xFFFFFF80  }
0x11e: {  	_ =	swait.ge [sflag:s7], $0x80  }
0x11f: {  	[sflag:s7] =	ssyncset.done $0x0  }
0x120: {  	[sflag:s7] =	ssyncadd.s32 $0xFFFFFF80  }
0x121: {  	_ =	swait.ge [sflag:s7], $0x80  }
0x122: {  	[sflag:s7] =	ssyncset.done $0x0  }
0x123: {  	[sflag:s7] =	ssyncadd.s32 $0xFFFFFF80  }
0x124: {  	_ =	swait.ge [sflag:s7], $0x80  }
0x125: {  	[sflag:s7] =	ssyncset.done $0x0  }
0x126: {  	[sflag:s7] =	ssyncadd.s32 $0xFFFFFF80  }
0x127: {  	_ =	swait.ge [sflag:s7], $0x80  }
0x128: {  	[sflag:s7] =	ssyncset.done $0x0  }
0x129: {  	[sflag:s7] =	ssyncadd.s32 $0xFFFFFF80  }
0x12a: {  	_ =	swait.ge [sflag:s7], $0x80  }
0x12b: {  	[sflag:s7] =	ssyncset.done $0x0  }
0x12c: {  	[sflag:s7] =	ssyncadd.s32 $0xFFFFFF80  }
0x12d: {  	_ =	swait.ge [sflag:s7], $0x80  }
0x12e: {  	[sflag:s7] =	ssyncset.done $0x0  }
0x12f: {  	[sflag:s7] =	ssyncadd.s32 $0xFFFFFF80  }
0x130: {  	_ =	swait.ge [sflag:s7], $0x80  }
0x131: {  	[sflag:s7] =	ssyncset.done $0x0  }
0x132: {  	[sflag:s7] =	ssyncadd.s32 $0xFFFFFF80  }
0x133: {  	_ =	swait.ge [sflag:s7], $0x80  }
0x134: {  	[sflag:s7] =	ssyncset.done $0x0  }
0x135: {  	[sflag:s7] =	ssyncadd.s32 $0xFFFFFF80  }
0x136: {  	_ =	swait.ge [sflag:s7], $0x80  }
0x137: {  	[sflag:s7] =	ssyncset.done $0x0  }
0x138: {  	[sflag:s7] =	ssyncadd.s32 $0xFFFFFF80  }
0x139: {  	_ =	swait.ge [sflag:s7], $0x80  }
0x13a: {  	[sflag:s7] =	ssyncset.done $0x0  }
0x13b: {  	[sflag:s7] =	ssyncadd.s32 $0xFFFFFF80  }
0x13c: {  	_ =	swait.ge [sflag:s7], $0x80  }
0x13d: {  	[sflag:s7] =	ssyncset.done $0x0  }
0x13e: {  	[sflag:s7] =	ssyncadd.s32 $0xFFFFFF80  }
0x13f: {  	_ =	swait.ge [sflag:s7], $0x80  }
0x140: {  	[sflag:s7] =	ssyncset.done $0x0  }
0x141: {  	[sflag:s7] =	ssyncadd.s32 $0xFFFFFF80  }
0x142: {  	_ =	swait.ge [sflag:s7], $0x80  }
0x143: {  	[sflag:s7] =	ssyncset.done $0x0  }
0x144: {  	[sflag:s7] =	ssyncadd.s32 $0xFFFFFF80  }
0x145: {  	_ =	swait.ge [sflag:s7], $0x80  }
0x146: {  	[sflag:s7] =	ssyncset.done $0x0  }
0x147: {  	[sflag:s7] =	ssyncadd.s32 $0xFFFFFF80  }
0x148: {  	_ =	swait.ge [sflag:s7], $0x80  }
0x149: {  	[sflag:s7] =	ssyncset.done $0x0  }
0x14a: {  	[sflag:s7] =	ssyncadd.s32 $0xFFFFFF80  }
0x14b: {  	_ =	swait.ge [sflag:s7], $0x80  }
0x14c: {  	[sflag:s7] =	ssyncset.done $0x0  }
0x14d: {  	[sflag:s7] =	ssyncadd.s32 $0xFFFFFF80  }
0x14e: {  	_ =	swait.ge [sflag:s7], $0x80  }
0x14f: {  	s29 =	sadd.s32 $0xFFFFFFFF, s29;
	[sflag:s7] =	ssyncset.done $0x0  }
0x150: {  	p1 =	sne.s32 s29, $0x0;
	[sflag:s7] =	ssyncadd.s32 $0xFFFFFF80  }
.Ltmp1:
0x151: {  	_ =	swait.ge [sflag:s7], $0x80;
	(pc) =	sbr.rel @p1 .LBB2_1-.Ltmp1, $4  }
0x152: {  	[sflag:s7] =	ssyncset.done $0x0  }
0x153: {  	[sflag:s7] =	ssyncadd.s32 $0xFFFFFF80  }
0x154: {  	_ =	swait.ge [sflag:s7], $0x80  }
0x155: {  	[sflag:s7] =	ssyncset.done $0x0  }
.LBB2_2:
0x156: {  	[sflag:s7] =	ssyncadd.s32 $0xFFFFFF80  }
0x157: {  	_ =	swait.ge [sflag:s7], $0x80  }
0x158: {  	[sflag:s7] =	ssyncset.done $0x0  }
0x159: {  	[sflag:s7] =	ssyncadd.s32 $0xFFFFFF80  }
0x15a: {  	_ =	swait.ge [sflag:s7], $0x80  }
0x15b: {  	[sflag:s7] =	ssyncset.done $0x0  }
0x15c: {  	[sflag:s7] =	ssyncadd.s32 $0xFFFFFF80  }
0x15d: {  	s1 =	simm.s32 @!p0 $0x1;
	[bflag:$0x0] =	sbarrier.arrive $0xFFFF  }
0x15e: {  	s2 =	simm.s32 @!p0 $0x20;
	s6 =	simm.s32 @!p0 $0x10;
	s0 =	rddreg [dreg:$0x7]  }
0x15f: {  	[hbm:s0@s2], [sflag:s5] =	dma.strided @!p0 [spmem:s3@s6], $0x80, s1, $0x10   }
0x160: {  	_ =	swait.ge @!p0 [sflag:s4], $0x80  }
0x161: {  	[sflag:s4] =	ssyncset.done @!p0 $0x0  }
0x162: {  	[sflag:s4] =	ssyncadd.s32 @!p0 $0xFFFFFF80  }
0x163: {  	_ =	sfence.sel $0x180000  }
0x164: {  	[bflag:$0x0] =	sbarrier.arrive $0xFFFF  }
0x165: {  	_ =	strace $0x90000047  }
0x166: {  	[bflag:$0x2] =	sbarrier.arrive $0xFFFF  }
0x167: {  	s0 =	rddreg [dreg:$0x3]  }
0x168: {  	s0 =	sadd.s32 @!p0 $0x100000, s0  }
0x169: {  	[sflag:s0] =	ssyncadd.tile.s32 @!p0 $0x1;
	_ =	shalt  }
.Lfunc_end2:
_tile_overlayer_lowered:
.L_overlay_start_2:
0x16a: {  	(tag) =	ssettag $0x2  }
0x16b: {  	s0 =	rddreg [dreg:$0x0];
	s2 =	stileid.u32  }
0x16c: {  	s1 =	rddreg [dreg:$0x1];
	p0 =	sne.s32 s2, $0x0  }
0x16d: {  	s3 =	rddreg [dreg:$0x2];
	[bflag:$0x3] =	sbarrier.arrive $0xFFFF;
	s2 =	simm.s32 @!p0 $0x1C02  }
0x16e: {  	[timem:s3], [sflag:s2] =	dma.local @!p0 [hbm:s0], s1  }
0x16f: {  	s0 =	simm.s32 @!p0 $0x2  }
0x170: {  	_ =	swait.ge @!p0 [sflag:s0], s1  }
0x171: {  	s1 =	ssub.s32 @!p0 $0x0, s1;
	[sflag:s0] =	ssyncset.done @!p0 $0x0  }
0x172: {  	[sflag:s0] =	ssyncadd.s32 @!p0 s1  }
0x173: {  	[bflag:$0x3] =	sbarrier.arrive $0xFFFF  }
0x174: {  	_ =	shalt  }

</sc_bundles>
